<compile_context>
chip_gen: v7x
topology: tpu7x:2x2x1
jax: 0.10.2.dev20260603
libtpu: 0.0.44.dev20260713+nightly
codegen_flags: <defaults>
</compile_context>

<pallas_src>
import functools

import jax
import jax.numpy as jnp
from jax import lax
from jax.experimental import pallas as pl
from jax.experimental.pallas import tpu as pltpu
from jax.experimental.pallas import tpu_sc as plsc

_VOCAB = 1000000
_EMBED_DIM = 64
_AUX_DIM = 128
_TARGET_DIM = 64
_BATCH = 16384
_HIST = 50

_NC = 2
_NS = 16
_NW = _NC * _NS
_TOTAL = _BATCH * _HIST
_PER_W = _TOTAL // _NW
_CHUNK = 640
_NCHUNK = _PER_W // _CHUNK

_B_BLK = 256
_ROWS_BLK = _B_BLK * _HIST


@functools.partial(
    pl.kernel,
    out_type=jax.ShapeDtypeStruct((_TOTAL, _EMBED_DIM), jnp.float32),
    mesh=plsc.VectorSubcoreMesh(core_axis_name="c", subcore_axis_name="s"),
    scratch_types=[
        pltpu.VMEM((_PER_W,), jnp.int32),
        pltpu.VMEM((_CHUNK, _EMBED_DIM), jnp.float32),
        pltpu.VMEM((_CHUNK, _EMBED_DIM), jnp.float32),
        pltpu.SemaphoreType.DMA,
        pltpu.SemaphoreType.DMA,
        pltpu.SemaphoreType.DMA,
        pltpu.SemaphoreType.DMA,
    ],
    compiler_params=pltpu.CompilerParams(use_tc_tiling_on_sc=False),
)
def _sc_gather(table_hbm, idx_hbm, out_hbm, idx_v, rows0_v, rows1_v,
               sem_g0, sem_g1, sem_w0, sem_w1):
    wid = lax.axis_index("s") * _NC + lax.axis_index("c")
    base = wid * _PER_W

    pltpu.sync_copy(idx_hbm.at[pl.ds(pl.multiple_of(base, _PER_W), _PER_W)],
                    idx_v)

    def out_slice(k):
        return out_hbm.at[pl.ds(pl.multiple_of(base + k * _CHUNK, _CHUNK),
                                _CHUNK)]

    def step(j, carry):
        k0 = 2 * j
        k1 = 2 * j + 1

        @pl.when(j > 0)
        def _():
            pltpu.make_async_copy(rows0_v, out_slice(k0 - 2), sem_w0).wait()

        pltpu.async_copy(table_hbm.at[idx_v.at[pl.ds(k0 * _CHUNK, _CHUNK)]],
                         rows0_v, sem_g0)

        @pl.when(j > 0)
        def _():
            pltpu.make_async_copy(rows1_v, out_slice(k1 - 2), sem_w1).wait()

        pltpu.async_copy(table_hbm.at[idx_v.at[pl.ds(k1 * _CHUNK, _CHUNK)]],
                         rows1_v, sem_g1)

        pltpu.make_async_copy(
            table_hbm.at[idx_v.at[pl.ds(k0 * _CHUNK, _CHUNK)]],
            rows0_v, sem_g0).wait()
        pltpu.async_copy(rows0_v, out_slice(k0), sem_w0)

        pltpu.make_async_copy(
            table_hbm.at[idx_v.at[pl.ds(k1 * _CHUNK, _CHUNK)]],
            rows1_v, sem_g1).wait()
        pltpu.async_copy(rows1_v, out_slice(k1), sem_w1)
        return carry

    lax.fori_loop(0, _NCHUNK // 2, step, 0)
    pltpu.make_async_copy(rows0_v, out_slice(_NCHUNK - 2), sem_w0).wait()
    pltpu.make_async_copy(rows1_v, out_slice(_NCHUNK - 1), sem_w1).wait()


def _tc_body(x_ref, w1_ref, b1_ref, w2_ref, b2_ref, o_ref):
    m = lax.dot_general(
        w2_ref[...], w1_ref[...],
        dimension_numbers=(((1,), (0,)), ((), ())),
        preferred_element_type=jnp.float32,
    )
    c = lax.dot_general(
        b1_ref[...], w2_ref[...],
        dimension_numbers=(((1,), (1,)), ((), ())),
        preferred_element_type=jnp.float32,
    ) + b2_ref[...]
    xf = x_ref[...]
    ye = lax.dot_general(
        xf[:, 0:_EMBED_DIM], m,
        dimension_numbers=(((1,), (1,)), ((), ())),
        preferred_element_type=jnp.float32,
    ) + c
    yo = lax.dot_general(
        xf[:, _EMBED_DIM:2 * _EMBED_DIM], m,
        dimension_numbers=(((1,), (1,)), ((), ())),
        preferred_element_type=jnp.float32,
    ) + c
    ys = jnp.concatenate([ye.reshape(_ROWS_BLK // 2, 1, _TARGET_DIM),
                          yo.reshape(_ROWS_BLK // 2, 1, _TARGET_DIM)],
                         axis=1)
    o_ref[...] = ys.reshape(_B_BLK, _HIST, _TARGET_DIM)


def _tc_project(x, w1, b1, w2, b2):
    return pl.pallas_call(
        _tc_body,
        grid=(_BATCH // _B_BLK,),
        in_specs=[
            pl.BlockSpec((_ROWS_BLK // 2, 2 * _EMBED_DIM), lambda i: (i, 0)),
            pl.BlockSpec((_AUX_DIM, _EMBED_DIM), lambda i: (0, 0)),
            pl.BlockSpec((1, _AUX_DIM), lambda i: (0, 0)),
            pl.BlockSpec((_TARGET_DIM, _AUX_DIM), lambda i: (0, 0)),
            pl.BlockSpec((1, _TARGET_DIM), lambda i: (0, 0)),
        ],
        out_specs=pl.BlockSpec((_B_BLK, _HIST, _TARGET_DIM),
                               lambda i: (i, 0, 0)),
        out_shape=jax.ShapeDtypeStruct((_BATCH, _HIST, _TARGET_DIM),
                                       jnp.float32),
    )(x, w1, b1, w2, b2)


def kernel(indices, table, W1, b1, W2, b2):
    idx = indices.astype(jnp.int32).reshape(_TOTAL)
    gathered = _sc_gather(table, idx)
    paired = gathered.reshape(_TOTAL // 2, 2 * _EMBED_DIM)
    return _tc_project(paired, W1, b1.reshape(1, _AUX_DIM), W2,
                       b2.reshape(1, _TARGET_DIM))

# --- scband reference (transcript-rebuilt; emitter-appended) ---
"""Pipeline reference for scband-pass-through-auxiliary-space-word-embedding-8735963480689 (READ-ONLY COPY).

The authoritative reference and input builder live on the scoring server;
editing this copy changes nothing except your own understanding.
"""

import jax, jax.numpy as jnp
import numpy as np

VOCAB = 1000000
EMBED_DIM = 64
AUX_DIM = 128
TARGET_DIM = 64
BATCH = 16384
HIST = 50


def setup_inputs(seed: int = 0) -> dict:
    key = jax.random.key(seed)
    k_idx, k_tab, k_w1, k_b1, k_w2, k_b2 = jax.random.split(key, 6)
    indices = jax.random.randint(k_idx, (BATCH, HIST), 0, VOCAB, dtype=jnp.int64)
    table = jax.random.normal(k_tab, (VOCAB, EMBED_DIM), dtype=jnp.float32) * 0.02
    # Linear layers: PyTorch stores weight as [out, in]; y = x @ W.T + b
    W1 = jax.random.normal(k_w1, (AUX_DIM, EMBED_DIM), dtype=jnp.float32) * (1.0 / np.sqrt(EMBED_DIM))
    b1 = jax.random.normal(k_b1, (AUX_DIM,), dtype=jnp.float32) * 0.01
    W2 = jax.random.normal(k_w2, (TARGET_DIM, AUX_DIM), dtype=jnp.float32) * (1.0 / np.sqrt(AUX_DIM))
    b2 = jax.random.normal(k_b2, (TARGET_DIM,), dtype=jnp.float32) * 0.01
    return {"indices": indices, "table": table, "W1": W1, "b1": b1, "W2": W2, "b2": b2}


def reference(indices, table, W1, b1, W2, b2):
    # primary_embedding lookup (gather)
    pri_vecs = jnp.take(table, indices, axis=0)  # [B, L, EMBED_DIM]
    # primary2auxiliary Linear
    aux_vecs = pri_vecs @ W1.T + b1              # [B, L, AUX_DIM]
    # auxiliary2target Linear
    tar_vecs = aux_vecs @ W2.T + b2              # [B, L, TARGET_DIM]
    return tar_vecs

if __name__ == "__main__":
    import jax
    _d = setup_inputs()
    print(jax.jit(kernel)(*tuple(_d.values())))

</pallas_src>

<mosaic_0001>
#map = affine_map<(d0, d1) -> (0, 0)>
#map1 = affine_map<(d0, d1) -> (0)>
module attributes {stable_mosaic.version = 14 : i64} {
  func.func @_sc_gather(%arg0: i32, %arg1: i32, %arg2: memref<1000000x64xf32, #tpu.memory_space<hbm>>, %arg3: memref<819200xi32, #tpu.memory_space<hbm>>, %arg4: memref<819200x64xf32, #tpu.memory_space<hbm>>, %arg5: memref<25600xi32, #tpu.memory_space<vmem>>, %arg6: memref<640x64xf32, #tpu.memory_space<vmem>>, %arg7: memref<640x64xf32, #tpu.memory_space<vmem>>, %arg8: memref<!tpu.dma_semaphore, #tpu.memory_space<semaphore_mem>>, %arg9: memref<!tpu.dma_semaphore, #tpu.memory_space<semaphore_mem>>, %arg10: memref<!tpu.dma_semaphore, #tpu.memory_space<semaphore_mem>>, %arg11: memref<!tpu.dma_semaphore, #tpu.memory_space<semaphore_mem>>) attributes {dimension_semantics = [#tpu.dimension_semantics<core_parallel>, #tpu.dimension_semantics<subcore_parallel>], iteration_bounds = array<i64: 2, 16>, scalar_prefetch = 0 : i64, scratch_operands = 7 : i64, tpu.core_type = #tpu.core_type<sc_vector_subcore>, window_params = [{transform_indices = #map}, {transform_indices = #map1}, {transform_indices = #map}]} {
    %mul3A = arith.constant 2 : i32
    %mul3A_0 = arith.muli %arg1, %mul3A : i32
    %add3A = arith.addi %mul3A_0, %arg0 : i32
    %mul3A_1 = arith.constant 25600 : i32
    %mul3A_2 = arith.muli %add3A, %mul3A_1 : i32
    %multiple_of3A = tpu.assume_multiple %mul3A_2, 25600 : i32
    "tpu.region"() ({
      %run_scoped3A = tpu.sem_alloc : memref<!tpu.dma_semaphore, #tpu.memory_space<semaphore_mem>>
      %dma_start3A = tpu.memref_slice %arg3[%multiple_of3A] : memref<819200xi32, #tpu.memory_space<hbm>> -> memref<25600xi32, #tpu.memory_space<hbm>>
      %dma_start3A_21 = tpu.memref_slice %arg3[%multiple_of3A] : memref<819200xi32, #tpu.memory_space<hbm>> -> memref<25600xi32, #tpu.memory_space<hbm>>
      tpu.enqueue_dma source(%dma_start3A_21 : memref<25600xi32, #tpu.memory_space<hbm>>) target(%arg5 : memref<25600xi32, #tpu.memory_space<vmem>>) target_semaphore(%run_scoped3A : memref<!tpu.dma_semaphore, #tpu.memory_space<semaphore_mem>>)
      %dma_wait3A_22 = tpu.memref_slice %arg3[%multiple_of3A] : memref<819200xi32, #tpu.memory_space<hbm>> -> memref<25600xi32, #tpu.memory_space<hbm>>
      %dma_wait3A_23 = tpu.memref_slice %arg3[%multiple_of3A] : memref<819200xi32, #tpu.memory_space<hbm>> -> memref<25600xi32, #tpu.memory_space<hbm>>
      tpu.wait_dma2 semaphore(%run_scoped3A : memref<!tpu.dma_semaphore, #tpu.memory_space<semaphore_mem>>) src(%dma_wait3A_23 : memref<25600xi32, #tpu.memory_space<hbm>>) dst(%arg5 : memref<25600xi32, #tpu.memory_space<vmem>>)
      tpu.yield
    }) : () -> ()
    %scan3A = arith.constant 0 : i32
    %scan3A_3 = arith.constant 0 : i32
    %scan3A_4 = arith.constant 20 : i32
    %scan3A_5 = arith.addi %scan3A_3, %scan3A_4 : i32
    %scan3A_6 = arith.constant 1 : i32
    scf.for %scan3A_21 = %scan3A_3 to %scan3A_5 step %scan3A_6  : i32 {
      %mul3A_22 = arith.constant 2 : i32
      %mul3A_23 = arith.muli %mul3A_22, %scan3A_21 : i32
      %mul3A_24 = arith.constant 2 : i32
      %mul3A_25 = arith.muli %mul3A_24, %scan3A_21 : i32
      %add3A_26 = arith.constant 1 : i32
      %add3A_27 = arith.addi %mul3A_25, %add3A_26 : i32
      %gt3A = arith.constant 0 : i32
      %gt3A_28 = arith.cmpi sgt, %scan3A_21, %gt3A : i32
      %convert_element_type3A = arith.extui %gt3A_28 : i1 to i32
      %cond3A = arith.constant 0 : i32
      %cond3A_29 = arith.cmpi ne, %convert_element_type3A, %cond3A : i32
      scf.if %cond3A_29 {
        %sub3A = arith.constant 2 : i32
        %sub3A_74 = arith.subi %mul3A_23, %sub3A : i32
        %mul3A_75 = arith.constant 640 : i32
        %mul3A_76 = arith.muli %sub3A_74, %mul3A_75 : i32
        %add3A_77 = arith.addi %mul3A_2, %mul3A_76 : i32
        %multiple_of3A_78 = tpu.assume_multiple %add3A_77, 640 : i32
        %dma_wait3A_79 = arith.constant 0 : i32
        %dma_wait3A_80 = tpu.memref_slice %arg4[%multiple_of3A_78, %dma_wait3A_79] : memref<819200x64xf32, #tpu.memory_space<hbm>> -> memref<640x64xf32, #tpu.memory_space<hbm>>
        %dma_wait3A_81 = arith.constant 0 : i32
        %dma_wait3A_82 = tpu.memref_slice %arg4[%multiple_of3A_78, %dma_wait3A_81] : memref<819200x64xf32, #tpu.memory_space<hbm>> -> memref<640x64xf32, #tpu.memory_space<hbm>>
        tpu.wait_dma2 semaphore(%arg10 : memref<!tpu.dma_semaphore, #tpu.memory_space<semaphore_mem>>) src(%arg6 : memref<640x64xf32, #tpu.memory_space<vmem>>) dst(%dma_wait3A_82 : memref<640x64xf32, #tpu.memory_space<hbm>>)
      } else {
      }
      %mul3A_30 = arith.constant 640 : i32
      %mul3A_31 = arith.muli %mul3A_23, %mul3A_30 : i32
      %dma_start3A = tpu.memref_slice %arg5[%mul3A_31] : memref<25600xi32, #tpu.memory_space<vmem>> -> memref<640xi32, #tpu.memory_space<vmem>>
      %dma_start3A_32 = arith.constant 0 : i32
      %dma_start3A_33 = arith.constant 0 : i32
      %dma_start3A_34 = tpu.memref_slice %arg2[%dma_start3A_32, %dma_start3A_33] : memref<1000000x64xf32, #tpu.memory_space<hbm>> -> memref<1000000x64xf32, #tpu.memory_space<hbm>>
      tpu.enqueue_indirect_dma source(%dma_start3A_34 : memref<1000000x64xf32, #tpu.memory_space<hbm>>) target(%arg6 : memref<640x64xf32, #tpu.memory_space<vmem>>) offsets(%dma_start3A : memref<640xi32, #tpu.memory_space<vmem>>) semaphore(%arg8 : memref<!tpu.dma_semaphore, #tpu.memory_space<semaphore_mem>>)
      %gt3A_35 = arith.constant 0 : i32
      %gt3A_36 = arith.cmpi sgt, %scan3A_21, %gt3A_35 : i32
      %convert_element_type3A_37 = arith.extui %gt3A_36 : i1 to i32
      %cond3A_38 = arith.constant 0 : i32
      %cond3A_39 = arith.cmpi ne, %convert_element_type3A_37, %cond3A_38 : i32
      scf.if %cond3A_39 {
        %sub3A = arith.constant 2 : i32
        %sub3A_74 = arith.subi %add3A_27, %sub3A : i32
        %mul3A_75 = arith.constant 640 : i32
        %mul3A_76 = arith.muli %sub3A_74, %mul3A_75 : i32
        %add3A_77 = arith.addi %mul3A_2, %mul3A_76 : i32
        %multiple_of3A_78 = tpu.assume_multiple %add3A_77, 640 : i32
        %dma_wait3A_79 = arith.constant 0 : i32
        %dma_wait3A_80 = tpu.memref_slice %arg4[%multiple_of3A_78, %dma_wait3A_79] : memref<819200x64xf32, #tpu.memory_space<hbm>> -> memref<640x64xf32, #tpu.memory_space<hbm>>
        %dma_wait3A_81 = arith.constant 0 : i32
        %dma_wait3A_82 = tpu.memref_slice %arg4[%multiple_of3A_78, %dma_wait3A_81] : memref<819200x64xf32, #tpu.memory_space<hbm>> -> memref<640x64xf32, #tpu.memory_space<hbm>>
        tpu.wait_dma2 semaphore(%arg11 : memref<!tpu.dma_semaphore, #tpu.memory_space<semaphore_mem>>) src(%arg7 : memref<640x64xf32, #tpu.memory_space<vmem>>) dst(%dma_wait3A_82 : memref<640x64xf32, #tpu.memory_space<hbm>>)
      } else {
      }
      %mul3A_40 = arith.constant 640 : i32
      %mul3A_41 = arith.muli %add3A_27, %mul3A_40 : i32
      %dma_start3A_42 = tpu.memref_slice %arg5[%mul3A_41] : memref<25600xi32, #tpu.memory_space<vmem>> -> memref<640xi32, #tpu.memory_space<vmem>>
      %dma_start3A_43 = arith.constant 0 : i32
      %dma_start3A_44 = arith.constant 0 : i32
      %dma_start3A_45 = tpu.memref_slice %arg2[%dma_start3A_43, %dma_start3A_44] : memref<1000000x64xf32, #tpu.memory_space<hbm>> -> memref<1000000x64xf32, #tpu.memory_space<hbm>>
      tpu.enqueue_indirect_dma source(%dma_start3A_45 : memref<1000000x64xf32, #tpu.memory_space<hbm>>) target(%arg7 : memref<640x64xf32, #tpu.memory_space<vmem>>) offsets(%dma_start3A_42 : memref<640xi32, #tpu.memory_space<vmem>>) semaphore(%arg9 : memref<!tpu.dma_semaphore, #tpu.memory_space<semaphore_mem>>)
      %mul3A_46 = arith.constant 640 : i32
      %mul3A_47 = arith.muli %mul3A_23, %mul3A_46 : i32
      %dma_wait3A_48 = tpu.memref_slice %arg5[%mul3A_47] : memref<25600xi32, #tpu.memory_space<vmem>> -> memref<640xi32, #tpu.memory_space<vmem>>
      %dma_wait3A_49 = arith.constant 0 : i32
      %dma_wait3A_50 = arith.constant 0 : i32
      %dma_wait3A_51 = tpu.memref_slice %arg2[%dma_wait3A_49, %dma_wait3A_50] : memref<1000000x64xf32, #tpu.memory_space<hbm>> -> memref<1000000x64xf32, #tpu.memory_space<hbm>>
      tpu.wait_indirect_dma semaphore(%arg8 : memref<!tpu.dma_semaphore, #tpu.memory_space<semaphore_mem>>) src(%dma_wait3A_51 : memref<1000000x64xf32, #tpu.memory_space<hbm>>) dst(%arg6 : memref<640x64xf32, #tpu.memory_space<vmem>>)
      %mul3A_52 = arith.constant 640 : i32
      %mul3A_53 = arith.muli %mul3A_23, %mul3A_52 : i32
      %add3A_54 = arith.addi %mul3A_2, %mul3A_53 : i32
      %multiple_of3A_55 = tpu.assume_multiple %add3A_54, 640 : i32
      %dma_start3A_56 = arith.constant 0 : i32
      %dma_start3A_57 = tpu.memref_slice %arg4[%multiple_of3A_55, %dma_start3A_56] : memref<819200x64xf32, #tpu.memory_space<hbm>> -> memref<640x64xf32, #tpu.memory_space<hbm>>
      %dma_start3A_58 = arith.constant 0 : i32
      %dma_start3A_59 = tpu.memref_slice %arg4[%multiple_of3A_55, %dma_start3A_58] : memref<819200x64xf32, #tpu.memory_space<hbm>> -> memref<640x64xf32, #tpu.memory_space<hbm>>
      tpu.enqueue_dma source(%arg6 : memref<640x64xf32, #tpu.memory_space<vmem>>) target(%dma_start3A_59 : memref<640x64xf32, #tpu.memory_space<hbm>>) target_semaphore(%arg10 : memref<!tpu.dma_semaphore, #tpu.memory_space<semaphore_mem>>)
      %mul3A_60 = arith.constant 640 : i32
      %mul3A_61 = arith.muli %add3A_27, %mul3A_60 : i32
      %dma_wait3A_62 = tpu.memref_slice %arg5[%mul3A_61] : memref<25600xi32, #tpu.memory_space<vmem>> -> memref<640xi32, #tpu.memory_space<vmem>>
      %dma_wait3A_63 = arith.constant 0 : i32
      %dma_wait3A_64 = arith.constant 0 : i32
      %dma_wait3A_65 = tpu.memref_slice %arg2[%dma_wait3A_63, %dma_wait3A_64] : memref<1000000x64xf32, #tpu.memory_space<hbm>> -> memref<1000000x64xf32, #tpu.memory_space<hbm>>
      tpu.wait_indirect_dma semaphore(%arg9 : memref<!tpu.dma_semaphore, #tpu.memory_space<semaphore_mem>>) src(%dma_wait3A_65 : memref<1000000x64xf32, #tpu.memory_space<hbm>>) dst(%arg7 : memref<640x64xf32, #tpu.memory_space<vmem>>)
      %mul3A_66 = arith.constant 640 : i32
      %mul3A_67 = arith.muli %add3A_27, %mul3A_66 : i32
      %add3A_68 = arith.addi %mul3A_2, %mul3A_67 : i32
      %multiple_of3A_69 = tpu.assume_multiple %add3A_68, 640 : i32
      %dma_start3A_70 = arith.constant 0 : i32
      %dma_start3A_71 = tpu.memref_slice %arg4[%multiple_of3A_69, %dma_start3A_70] : memref<819200x64xf32, #tpu.memory_space<hbm>> -> memref<640x64xf32, #tpu.memory_space<hbm>>
      %dma_start3A_72 = arith.constant 0 : i32
      %dma_start3A_73 = tpu.memref_slice %arg4[%multiple_of3A_69, %dma_start3A_72] : memref<819200x64xf32, #tpu.memory_space<hbm>> -> memref<640x64xf32, #tpu.memory_space<hbm>>
      tpu.enqueue_dma source(%arg7 : memref<640x64xf32, #tpu.memory_space<vmem>>) target(%dma_start3A_73 : memref<640x64xf32, #tpu.memory_space<hbm>>) target_semaphore(%arg11 : memref<!tpu.dma_semaphore, #tpu.memory_space<semaphore_mem>>)
    }
    %scan3A_7 = arith.constant 20 : i32
    %add3A_8 = arith.constant 24320 : i32
    %add3A_9 = arith.addi %mul3A_2, %add3A_8 : i32
    %multiple_of3A_10 = tpu.assume_multiple %add3A_9, 640 : i32
    %dma_wait3A = arith.constant 0 : i32
    %dma_wait3A_11 = tpu.memref_slice %arg4[%multiple_of3A_10, %dma_wait3A] : memref<819200x64xf32, #tpu.memory_space<hbm>> -> memref<640x64xf32, #tpu.memory_space<hbm>>
    %dma_wait3A_12 = arith.constant 0 : i32
    %dma_wait3A_13 = tpu.memref_slice %arg4[%multiple_of3A_10, %dma_wait3A_12] : memref<819200x64xf32, #tpu.memory_space<hbm>> -> memref<640x64xf32, #tpu.memory_space<hbm>>
    tpu.wait_dma2 semaphore(%arg10 : memref<!tpu.dma_semaphore, #tpu.memory_space<semaphore_mem>>) src(%arg6 : memref<640x64xf32, #tpu.memory_space<vmem>>) dst(%dma_wait3A_13 : memref<640x64xf32, #tpu.memory_space<hbm>>)
    %add3A_14 = arith.constant 24960 : i32
    %add3A_15 = arith.addi %mul3A_2, %add3A_14 : i32
    %multiple_of3A_16 = tpu.assume_multiple %add3A_15, 640 : i32
    %dma_wait3A_17 = arith.constant 0 : i32
    %dma_wait3A_18 = tpu.memref_slice %arg4[%multiple_of3A_16, %dma_wait3A_17] : memref<819200x64xf32, #tpu.memory_space<hbm>> -> memref<640x64xf32, #tpu.memory_space<hbm>>
    %dma_wait3A_19 = arith.constant 0 : i32
    %dma_wait3A_20 = tpu.memref_slice %arg4[%multiple_of3A_16, %dma_wait3A_19] : memref<819200x64xf32, #tpu.memory_space<hbm>> -> memref<640x64xf32, #tpu.memory_space<hbm>>
    tpu.wait_dma2 semaphore(%arg11 : memref<!tpu.dma_semaphore, #tpu.memory_space<semaphore_mem>>) src(%arg7 : memref<640x64xf32, #tpu.memory_space<vmem>>) dst(%dma_wait3A_20 : memref<640x64xf32, #tpu.memory_space<hbm>>)
    return
  }
}

module attributes {stable_mosaic.version = 14 : i64} {
  func.func @_tc_body(%arg0: i32, %arg1: memref<6400x128xf32, #tpu.memory_space<vmem>>, %arg2: memref<128x64xf32, #tpu.memory_space<vmem>>, %arg3: memref<1x128xf32, #tpu.memory_space<vmem>>, %arg4: memref<64x128xf32, #tpu.memory_space<vmem>>, %arg5: memref<1x64xf32, #tpu.memory_space<vmem>>, %arg6: memref<256x50x64xf32, #tpu.memory_space<vmem>>) attributes {dimension_semantics = [#tpu.dimension_semantics<arbitrary>], iteration_bounds = array<i64: 64>, scalar_prefetch = 0 : i64, scratch_operands = 0 : i64, tpu.core_type = #tpu.core_type<tc>, window_params = [{transform_indices = @transform_0, window_bounds = array<i64: 6400, 128>}, {pipeline_mode = #tpu.pipeline_mode<synchronous>, transform_indices = @transform_1, window_bounds = array<i64: 128, 64>}, {pipeline_mode = #tpu.pipeline_mode<synchronous>, transform_indices = @transform_2, window_bounds = array<i64: 1, 128>}, {pipeline_mode = #tpu.pipeline_mode<synchronous>, transform_indices = @transform_3, window_bounds = array<i64: 64, 128>}, {pipeline_mode = #tpu.pipeline_mode<synchronous>, transform_indices = @transform_4, window_bounds = array<i64: 1, 64>}, {transform_indices = @transform_5, window_bounds = array<i64: 256, 50, 64>}]} {
    %get3A = arith.constant 0 : index
    %get3A_0 = arith.constant 0 : index
    %get3A_1 = vector.load %arg4[%get3A, %get3A_0] : memref<64x128xf32, #tpu.memory_space<vmem>>, vector<64x128xf32>
    %get3A_2 = arith.constant 0 : index
    %get3A_3 = arith.constant 0 : index
    %get3A_4 = vector.load %arg2[%get3A_2, %get3A_3] : memref<128x64xf32, #tpu.memory_space<vmem>>, vector<128x64xf32>
    %dot_general3A = arith.constant dense<0.000000e+00> : vector<64x64xf32>
    %dot_general3A_5 = tpu.matmul %get3A_1, %get3A_4, %dot_general3A {dimension_numbers = #tpu.dot_dimension_numbers<[1], [0], [0], [1], [0, 0, 1, 1], [], []>, transpose_lhs_hint = false} : vector<64x128xf32>, vector<128x64xf32>, vector<64x64xf32> -> vector<64x64xf32>
    %get3A_6 = arith.constant 0 : index
    %get3A_7 = arith.constant 0 : index
    %get3A_8 = vector.load %arg3[%get3A_6, %get3A_7] : memref<1x128xf32, #tpu.memory_space<vmem>>, vector<1x128xf32>
    %get3A_9 = arith.constant 0 : index
    %get3A_10 = arith.constant 0 : index
    %get3A_11 = vector.load %arg4[%get3A_9, %get3A_10] : memref<64x128xf32, #tpu.memory_space<vmem>>, vector<64x128xf32>
    %dot_general3A_12 = arith.constant dense<0.000000e+00> : vector<1x64xf32>
    %dot_general3A_13 = tpu.matmul %get3A_8, %get3A_11, %dot_general3A_12 {dimension_numbers = #tpu.dot_dimension_numbers<[1], [1], [0], [0], [0, 0, 1, 0], [], []>, transpose_lhs_hint = false} : vector<1x128xf32>, vector<64x128xf32>, vector<1x64xf32> -> vector<1x64xf32>
    %get3A_14 = arith.constant 0 : index
    %get3A_15 = arith.constant 0 : index
    %get3A_16 = vector.load %arg5[%get3A_14, %get3A_15] : memref<1x64xf32, #tpu.memory_space<vmem>>, vector<1x64xf32>
    %add3A = arith.addf %dot_general3A_13, %get3A_16 : vector<1x64xf32>
    %get3A_17 = arith.constant 0 : index
    %get3A_18 = arith.constant 0 : index
    %get3A_19 = vector.load %arg1[%get3A_17, %get3A_18] : memref<6400x128xf32, #tpu.memory_space<vmem>>, vector<6400x128xf32>
    %slice3A = vector.extract_strided_slice %get3A_19 {offsets = [0, 0], sizes = [6400, 64], strides = [1, 1]} : vector<6400x128xf32> to vector<6400x64xf32>
    %dot_general3A_20 = arith.constant dense<0.000000e+00> : vector<6400x64xf32>
    %dot_general3A_21 = tpu.matmul %slice3A, %dot_general3A_5, %dot_general3A_20 {dimension_numbers = #tpu.dot_dimension_numbers<[1], [1], [0], [0], [0, 0, 1, 0], [], []>, transpose_lhs_hint = false} : vector<6400x64xf32>, vector<64x64xf32>, vector<6400x64xf32> -> vector<6400x64xf32>
    %add3A_22 = vector.broadcast %add3A : vector<1x64xf32> to vector<6400x64xf32>
    %add3A_23 = arith.addf %dot_general3A_21, %add3A_22 : vector<6400x64xf32>
    %slice3A_24 = vector.extract_strided_slice %get3A_19 {offsets = [0, 64], sizes = [6400, 64], strides = [1, 1]} : vector<6400x128xf32> to vector<6400x64xf32>
    %dot_general3A_25 = arith.constant dense<0.000000e+00> : vector<6400x64xf32>
    %dot_general3A_26 = tpu.matmul %slice3A_24, %dot_general3A_5, %dot_general3A_25 {dimension_numbers = #tpu.dot_dimension_numbers<[1], [1], [0], [0], [0, 0, 1, 0], [], []>, transpose_lhs_hint = false} : vector<6400x64xf32>, vector<64x64xf32>, vector<6400x64xf32> -> vector<6400x64xf32>
    %add3A_27 = vector.broadcast %add3A : vector<1x64xf32> to vector<6400x64xf32>
    %add3A_28 = arith.addf %dot_general3A_26, %add3A_27 : vector<6400x64xf32>
    %reshape3A = vector.shape_cast %add3A_23 : vector<6400x64xf32> to vector<6400x1x64xf32>
    %reshape3A_29 = vector.shape_cast %add3A_28 : vector<6400x64xf32> to vector<6400x1x64xf32>
    %concatenate3A = tpu.concatenate %reshape3A, %reshape3A_29 in 1 : vector<6400x1x64xf32>, vector<6400x1x64xf32> -> vector<6400x2x64xf32>
    %reshape3A_30 = vector.shape_cast %concatenate3A : vector<6400x2x64xf32> to vector<256x50x64xf32>
    %swap3A = arith.constant 0 : index
    %swap3A_31 = arith.constant 0 : index
    %swap3A_32 = arith.constant 0 : index
    %swap3A_33 = vector.load %arg6[%swap3A, %swap3A_31, %swap3A_32] : memref<256x50x64xf32, #tpu.memory_space<vmem>>, vector<256x50x64xf32>
    tpu.vector_store %arg6[%swap3A, %swap3A_31, %swap3A_32], %reshape3A_30 {strides = array<i32>} : memref<256x50x64xf32, #tpu.memory_space<vmem>>, vector<256x50x64xf32>,
    return
  }
  func.func @transform_0(%arg0: i32) -> (i32, i32) {
    %c0_i32 = arith.constant 0 : i32
    %c0_i32_0 = arith.constant 0 : i32
    return %arg0, %c0_i32 : i32, i32
  }
  func.func @transform_1(%arg0: i32) -> (i32, i32) {
    %c0_i32 = arith.constant 0 : i32
    %c0_i32_0 = arith.constant 0 : i32
    %c0_i32_1 = arith.constant 0 : i32
    return %c0_i32, %c0_i32_0 : i32, i32
  }
  func.func @transform_2(%arg0: i32) -> (i32, i32) {
    %c0_i32 = arith.constant 0 : i32
    %c0_i32_0 = arith.constant 0 : i32
    %c0_i32_1 = arith.constant 0 : i32
    return %c0_i32, %c0_i32_0 : i32, i32
  }
  func.func @transform_3(%arg0: i32) -> (i32, i32) {
    %c0_i32 = arith.constant 0 : i32
    %c0_i32_0 = arith.constant 0 : i32
    %c0_i32_1 = arith.constant 0 : i32
    return %c0_i32, %c0_i32_0 : i32, i32
  }
  func.func @transform_4(%arg0: i32) -> (i32, i32) {
    %c0_i32 = arith.constant 0 : i32
    %c0_i32_0 = arith.constant 0 : i32
    %c0_i32_1 = arith.constant 0 : i32
    return %c0_i32, %c0_i32_0 : i32, i32
  }
  func.func @transform_5(%arg0: i32) -> (i32, i32, i32) {
    %c0_i32 = arith.constant 0 : i32
    %c0_i32_0 = arith.constant 0 : i32
    %c0_i32_1 = arith.constant 0 : i32
    return %arg0, %c0_i32, %c0_i32_0 : i32, i32, i32
  }
}

</mosaic_0001>

<sc_bundles>
// kernel: kernel.4.cloned.1.call-start
scs
__scs_entry_jumppad:
0x0: {  	(pc) =	sbr.rel $0x88, $3  }
0x1: {  	(tag) =	ssettag $0x0;
	lr =	simm.s32 $0x1  }
0x2: {  	[smem:$0x3F9B] =	sst lr;
	_ =	strace $0xD0000000  }
0x3: {  	_ = 	snop  }
0x4: {  	_ = 	snop  }
0x5: {  	_ = 	snop  }
0x6: {  	_ = 	snop  }
0x7: {  	_ = 	snop  }
__scs_overlays_trampoline_lowered:
0x8: {  	[smem:$0x3FAA] =	sst s0  }
0x9: {  	[smem:$0x3FAB] =	sst s1  }
0xa: {  	[smem:$0x3FAC] =	sst s2  }
0xb: {  	[smem:$0x3FAD] =	sst s3  }
0xc: {  	[smem:$0x3FAE] =	sst s4  }
0xd: {  	[smem:$0x3FAF] =	sst s5  }
0xe: {  	[smem:$0x3FB0] =	sst s6  }
0xf: {  	[smem:$0x3FB1] =	sst s7  }
0x10: {  	[smem:$0x3FB2] =	sst s8  }
0x11: {  	[smem:$0x3FB3] =	sst s9;
	s0 =	simm.s32 @!p0 $0x0  }
0x12: {  	s1 =	sld [smem:$0x3F99];
	s0 =	simm.s32 @p0 $0x1  }
0x13: {  	[smem:$0x3FB4] =	sst s0;
	s0 =	simm.s32 @!p1 $0x0  }
0x14: {  	s2 =	sld [smem:$0x3F98];
	s0 =	simm.s32 @p1 $0x1  }
0x15: {  	[smem:$0x3FB5] =	sst s0;
	s0 =	simm.s32 @!p2 $0x0  }
0x16: {  	s3 =	sld [smem:$0x3FDB];
	s0 =	simm.s32 @p2 $0x1  }
0x17: {  	s4 =	simm.s32 $0x1BF5;
	[smem:$0x3FB7] =	sst s0  }
0x18: {  	s0 =	sld [smem:$0x3F9A];
	_ =	swait.ge [sflag:s4], $0x0  }
0x19: {  	s7 =	sld [smem:$0x3F9B]  }
0x1a: {  	s8 =	sadd.s32 $0xFFFFE003, lr  }
0x1b: {  	s9 =	sadd.s32 $0xFFFFFEF7, lr;
	s5 =	simm.s32 $0xFFFFFFFF;
	p2 =	slt.u32 s8, $0xFFFFF086  }
0x1c: {  	p1 =	slt.u32 s9, $0xF7A;
	s5 =	simm.s32 @!p2 $0x0  }
0x1d: {  	s5 =	simm.s32 @p1 $0x1;
	p0 =	seq.s32 s7, s2  }
0x1e: {  	s7 =	smul.u32 @!p0 $0xF7A, s2;
	p2 =	seq.s32 @!p0 s5, $0x0  }
0x1f: {  	s9 =	smul.u32 $0xF7A, s1;
	s8 =	simm.s32 @!p0 $0x1BF5;
	p2 =	por !p2, p0  }
0x20: {  	[sflag:s8] =	ssyncset.s32 @!p0 $0xFFFFF086;
	s6 =	sadd.s32 @!p0 s3, s7;
	s7 =	simm.s32 @!p0 $0x108  }
0x21: {  	s3 =	sadd.s32 s3, s9;
	s6 =	sadd.s32 @!p0 $0x88, s6;
	s7 =	simm.s32 @p2 $0x1082  }
0x22: {  	[simem:s7], [sflag:s8] =	dma.local @!p0 [hbm:s6], $0xF7A  }
0x23: {  	s9 =	sor.u32 $0xD0000000, s2;
	s6 =	simm.s32 $0x108;
	_ =	swait.ge @!p0 [sflag:s8], $0x0  }
0x24: {  	s3 =	sadd.s32 $0x88, s3;
	s6 =	simm.s32 @!p1 $0x1082;
	[sflag:s4] =	ssyncset.s32 $0xFFFFF086  }
0x25: {  	[simem:s6], [sflag:s4] =	dma.local [hbm:s3], $0xF7A  }
0x26: {  	[smem:$0x3F9B] =	sst s1;
	(tag) =	ssettag s2;
	_ =	strace s9  }
0x27: {  	s1 =	sld [smem:$0x3FAB]  }
0x28: {  	s2 =	sld [smem:$0x3FAC]  }
0x29: {  	s4 =	sld [smem:$0x3FAE]  }
0x2a: {  	p0 =	seq.s32 s5, $0x0;
	s5 =	sld [smem:$0x3FAF]  }
0x2b: {  	s6 =	sld [smem:$0x3FB0]  }
0x2c: {  	s7 =	sld [smem:$0x3FB1]  }
0x2d: {  	s3 =	simm.s32 $0x108;
	s8 =	sld [smem:$0x3FB2]  }
0x2e: {  	s3 =	simm.s32 @!p0 $0x1082;
	s9 =	sld [smem:$0x3FB3]  }
0x2f: {  	lr =	sadd.s32 s0, s3;
	s0 =	sld [smem:$0x3FAA]  }
0x30: {  	s3 =	sld [smem:$0x3FAD]  }
0x31: {  	[smem:$0x3FB6] =	sst s10  }
0x32: {  	s10 =	sld [smem:$0x3FB4];
	_ =	sdelay $0x3  }
0x33: {  	p0 =	seq.s32 s10, $0x1;
	s10 =	sld [smem:$0x3FB6];
	_ =	sdelay $0x3  }
0x34: {  	[smem:$0x3FB6] =	sst s10  }
0x35: {  	s10 =	sld [smem:$0x3FB5];
	_ =	sdelay $0x3  }
0x36: {  	p1 =	seq.s32 s10, $0x1;
	s10 =	sld [smem:$0x3FB6];
	_ =	sdelay $0x3  }
0x37: {  	[smem:$0x3FB6] =	sst s10  }
0x38: {  	s10 =	sld [smem:$0x3FB7]  }
0x39: {  	_ = 	snop;
	(pc) =	sbr.ind lr, $3  }
0x3a: {  	_ = 	snop  }
0x3b: {  	_ = 	snop  }
0x3c: {  	p2 =	seq.s32 s10, $0x1;
	s10 =	sld [smem:$0x3FB6]  }
0x3d: {  	_ =	shalt  }
0x3e: {  	_ =	shalt  }
0x3f: {  	_ =	shalt  }
0x40: {  	_ =	shalt  }
0x41: {  	_ =	shalt  }
0x42: {  	_ =	shalt  }
0x43: {  	_ =	shalt  }
0x44: {  	_ =	shalt  }
0x45: {  	_ =	shalt  }
0x46: {  	_ =	shalt  }
0x47: {  	_ =	shalt  }
0x48: {  	_ =	shalt  }
0x49: {  	_ =	shalt  }
0x4a: {  	_ =	shalt  }
0x4b: {  	_ =	shalt  }
0x4c: {  	_ =	shalt  }
0x4d: {  	_ =	shalt  }
0x4e: {  	_ =	shalt  }
0x4f: {  	_ =	shalt  }
0x50: {  	_ =	shalt  }
0x51: {  	_ =	shalt  }
0x52: {  	_ =	shalt  }
0x53: {  	_ =	shalt  }
0x54: {  	_ =	shalt  }
0x55: {  	_ =	shalt  }
0x56: {  	_ =	shalt  }
0x57: {  	_ =	shalt  }
0x58: {  	_ =	shalt  }
0x59: {  	_ =	shalt  }
0x5a: {  	_ =	shalt  }
0x5b: {  	_ =	shalt  }
0x5c: {  	_ =	shalt  }
0x5d: {  	_ =	shalt  }
0x5e: {  	_ =	shalt  }
0x5f: {  	_ =	shalt  }
0x60: {  	_ =	shalt  }
0x61: {  	_ =	shalt  }
0x62: {  	_ =	shalt  }
0x63: {  	_ =	shalt  }
0x64: {  	_ =	shalt  }
0x65: {  	_ =	shalt  }
0x66: {  	_ =	shalt  }
0x67: {  	_ =	shalt  }
0x68: {  	_ =	shalt  }
0x69: {  	_ =	shalt  }
0x6a: {  	_ =	shalt  }
0x6b: {  	_ =	shalt  }
0x6c: {  	_ =	shalt  }
0x6d: {  	_ =	shalt  }
0x6e: {  	_ =	shalt  }
0x6f: {  	_ =	shalt  }
0x70: {  	_ =	shalt  }
0x71: {  	_ =	shalt  }
0x72: {  	_ =	shalt  }
0x73: {  	_ =	shalt  }
0x74: {  	_ =	shalt  }
0x75: {  	_ =	shalt  }
0x76: {  	_ =	shalt  }
0x77: {  	_ =	shalt  }
0x78: {  	_ =	shalt  }
0x79: {  	_ =	shalt  }
0x7a: {  	_ =	shalt  }
0x7b: {  	_ =	shalt  }
0x7c: {  	_ =	shalt  }
0x7d: {  	_ =	shalt  }
0x7e: {  	_ =	shalt  }
0x7f: {  	_ =	shalt  }
0x80: {  	_ =	shalt  }
0x81: {  	_ =	shalt  }
0x82: {  	_ =	shalt  }
0x83: {  	_ =	shalt  }
0x84: {  	_ =	shalt  }
0x85: {  	_ =	shalt  }
0x86: {  	_ =	shalt  }
0x87: {  	_ =	shalt  }
.Lfunc_end0:
.L_simem_size_0:
called_computation_lowered:
.L_overlay_start_0:
0x88: {  	s2 =	sld [smem:$0x3FD9]  }
0x89: {  	s3 =	sld [smem:$0x3FFE];
	_ =	sdelay $0x1  }
0x8a: {  	s1 =	srdreg.scid  }
0x8b: {  	s0 =	sand.u32 $0x1, s1  }
0x8c: {  	s17 =	sshll.u32 s0, $0xA;
	s2 =	sadd.s32 s3, s2  }
0x8d: {  	s2 =	sadd.s32 s2, s17  }
0x8e: {  	[smem:$0x3FC2] =	sst s2  }
0x8f: {  	_ = 	snop  }
0x90: {  	s2 =	sld [smem:$0x3FD0];
	(tm) =	ssettm $0x1  }
0x91: {  	s18 =	sld [smem:$0x3FFB];
	_ =	sdelay $0x3  }
0x92: {  	_ =	strace s18  }
0x93: {  	s3 =	sld [smem:$0x3FFC];
	_ =	sdelay $0x3  }
0x94: {  	_ =	strace s3  }
0x95: {  	s3 =	sld [smem:$0x3FFD];
	_ =	sdelay $0x3  }
0x96: {  	_ =	strace s3  }
0x97: {  	_ =	strace $0x8FFFFFFF  }
0x98: {  	s19 =	sld [smem:$0x3FDB];
	_ =	sdelay $0x1  }
0x99: {  	s4 =	simm.s32 $_scs_section_size  }
0x9a: {  	s5 =	simm.s32 $_size__tile_overlayer_lowered;
	s6 =	simm.s32 $_tile_overlayer_lowered  }
0x9b: {  	s22 =	simm.s32 $0x1BFF;
	s21 =	sshll.u32 s6, $0x1;
	s3 =	sadd.s32 s4, s19  }
0x9c: {  	s7 =	simm.s32 $0x0;
	s20 =	sshll.u32 s5, $0x1;
	s5 =	sadd.s32 s21, s3  }
0x9d: {  	[timem:s7], [sflag:s22] =	dma.local [hbm:s5], s20  }
0x9e: {  	_ =	swait.ge [sflag:s22], s20  }
0x9f: {  	s4 =	ssub.s32 $0x0, s20;
	[sflag:s22] =	ssyncset.done $0x0  }
0xa0: {  	[sflag:s22] =	ssyncadd.s32 s4;
	_ =	sdelay $0x1  }
0xa1: {  	s23 =	simm.s32 $0x1B8B  }
0xa2: {  	_ =	swait.ge [sflag:s23], $0x1  }
0xa3: {  	[sflag:s23] =	ssyncset.done $0x0  }
0xa4: {  	s25 =	simm.s32 $0x1B8E;
	s24 =	sld [smem:$0x3FFE];
	[sflag:s23] =	ssyncadd.s32 $0xFFFFFFFF  }
0xa5: {  	s26 =	simm.s32 $execute0_lowered;
	[smem:$0x3FD2] =	sst s25  }
0xa6: {  	s5 =	sshll.u32 s26, $0x1;
	_ =	strace $0x80000046;
	[dreg:$0x1] =	wrdreg $0xFFFFFFFF  }
0xa7: {  	s28 =	simm.s32 $_size_execute0_lowered;
	s3 =	sadd.s32 s3, s5;
	[dreg:$0x0] =	wrdreg $0x0  }
0xa8: {  	s5 =	sshll.u32 s28, $0x1;
	[dreg:$0x2] =	wrdreg s3  }
0xa9: {  	[dreg:$0x3] =	wrdreg s5  }
0xaa: {  	[dreg:$0x4] =	wrdreg $0xC0  }
0xab: {  	_ =	task [dreg:s7], $0x5FFFF  }
0xac: {  	[dreg:$0x1] =	wrdreg $0xFFFFFFFF  }
0xad: {  	[dreg:$0x0] =	wrdreg $0x60  }
0xae: {  	[dreg:$0x2] =	wrdreg s24  }
0xaf: {  	[dreg:$0x3] =	wrdreg s2  }
0xb0: {  	[dreg:$0x4] =	wrdreg $0x9  }
0xb1: {  	_ =	task.clear_ibuf [dreg:s7], $0x5FFFF;
	_ =	strace $0x90000046  }
0xb2: {  	s29 =	simm.s32 $0x9;
	_ =	strace $0x80000048  }
0xb3: {  	_ =	swait.ge [sflag:s29], $0x1  }
0xb4: {  	[sflag:s29] =	ssyncadd.s32 $0xFFFFFFFF  }
0xb5: {  	_ =	strace $0x90000048  }
0xb6: {  	_ =	sfence  }
0xb7: {  	s30 =	sld [smem:$0x0];
	_ =	sdelay $0x2  }
0xb8: {  	s31 =	sshll.u32 s1, $0xD;
	s1 =	sshrl.u32 s1, $0x2  }
0xb9: {  	s3 =	sand.u32 $0x4000, s31;
	s1 =	sadd.s32 s1, s30  }
0xba: {  	s0 =	sor.u32 s3, s0;
	s1 =	sshll.u32 s1, $0x11  }
0xbb: {  	s0 =	sor.u32 s1, s0  }
0xbc: {  	s0 =	sadd.s32 $0x8F2B, s0  }
0xbd: {  	[sflag:s0] =	ssyncadd.remote.s32 $0x1  }
0xbe: {  	_ =	sfence.sel $0xFFFF  }
0xbf: {  	[dreg:$0x0] =	wrdreg $0xFFFFFFFF;
	(pc) =	sbr.abs _section_cstart, $3  }
0xc0: {  	[dreg:$0x1] =	wrdreg $0xFFFFFFFF  }
0xc1: {  	_ =	task.clear_ibuf [dreg:s7], $0x2FFFF;
	_ =	strace $0x9FFFFFFF  }
0xc2: {  	(tm) =	ssettm $0x7FFFFFFF  }
0xc3: {  	_ =	shalt  }
tec
execute0_lowered:
.L_overlay_start_1:
0x0: {  	(tag) =	ssettag $0x1  }
0x1: {  	s4 =	rddreg [dreg:$0x0];
	s1 =	srdreg.scid  }
0x2: {  	s0 =	stileid.u32;
	s7 =	rddreg [dreg:$0x1];
	s2 =	simm.s32 $0x0  }
0x3: {  	s13 =	simm.s32 $0x10400;
	s14 =	simm.s32 $0x1;
	s15 =	simm.s32 $0x2  }
0x4: {  	s16 =	simm.s32 $0x3;
	s17 =	simm.s32 $0x4;
	s18 =	simm.s32 $0x0  }
0x5: {  	s3 =	sand.u32 $0x1, s1;
	s5 =	sshll.u32 s0, $0x1;
	s1 =	rddreg [dreg:$0x2]  }
0x6: {  	[smem:$0x7FF] =	sst s2;
	s9 =	smul.u32 $0xC800, s0;
	s5 =	sor.u32 s3, s5  }
0x7: {  	_ =	strace $0x80000047;
	s8 =	ssub.s32 $0x2, s3;
	s12 =	smul.u32 $0x6400, s3  }
0x8: {  	s3 =	sadd.s32 $0xF43200, s4;
	s6 =	smul.u32 $0x6400, s5;
	s11 =	sshrl.u32 s8, $0x1  }
0x9: {  	s30 =	smul.u32 $0x32000, s5;
	s8 =	ssub.s32 s8, s11;
	s9 =	sadd.s32 s12, s9  }
0xa: {  	s11 =	simm.s32 $0x280;
	s12 =	simm.s32 $0x6400;
	s10 =	sshrl.u32 s6, $0x3  }
0xb: {  	s5 =	smax.u32 s8, $0x1;
	s31 =	sshll.u32 s6, $0x3;
	s9 =	sshll.u32 s9, $0x3  }
0xc: {  	s6 =	sadd.s32 s7, s30;
	s4 =	sadd.s32 s10, s4;
	s8 =	sadd.s32 s31, s7  }
0xd: {  	s9 =	sadd.s32 s7, s9;
	s10 =	simm.s32 $0x5;
	s4 =	sadd.s32 $0xE00, s4  }
0xe: {  	s7 =	sadd.s32 $0x1400, s8;
	s8 =	sadd.s32 $0x2800, s9;
	s9 =	sadd.s32 $0x3C00, s9  }
.LBB2_1:
0xf: {  	[tilespmem:s2], [sflag:$0x5] =	stream.linear.gather [hbm4b:s4+s2], $0x6400, $0x38;
	[tilespmem:$0x1A400] =	vst v63  }
0x10: {  	_ =	swait.ge [sflag:s10], $0x6400  }
0x11: {  	[sflag:s10] =	ssyncset.done $0x0  }
0x12: {  	[sflag:s10] =	ssyncadd.s32 $0xFFFF9C00  }
0x13: {  	[tilespmem:s12], [sflag:$0x1] =	stream.indirect.gather [hbm4b:s3+s11], $0x40, s2, s11, $0xb8;
	[tilespmem:$0x1A400] =	vst v63  }
0x14: {  	_ = 	snop  }
0x15: {  	[tilespmem:s13], [sflag:$0x2] =	stream.indirect.gather [hbm4b:s3+s11], $0x40, s11, s11, $0xb8;
	[tilespmem:$0x1A400] =	vst v63  }
0x16: {  	_ =	swait.ge [sflag:s14], $0xA000  }
0x17: {  	[sflag:s14] =	ssyncset.done $0x0  }
0x18: {  	[sflag:s14] =	ssyncadd.s32 $0xFFFF6000  }
0x19: {  	[hbm4b:s6+s2] =	stream.linear.scatter [tilespmem:s12], [sflag:$0x3], $0xA000, $0x38;
	[tilespmem:$0x1A400] =	vst v63  }
0x1a: {  	_ =	swait.ge [sflag:s15], $0xA000  }
0x1b: {  	[sflag:s15] =	ssyncset.done $0x0  }
0x1c: {  	[sflag:s15] =	ssyncadd.s32 $0xFFFF6000  }
0x1d: {  	[hbm4b:s7+s2] =	stream.linear.scatter [tilespmem:s13], [sflag:$0x4], $0xA000, $0x38;
	[tilespmem:$0x1A400] =	vst v63  }
0x1e: {  	_ =	swait.ge [sflag:s16], $0xA000  }
0x1f: {  	[sflag:s16] =	ssyncset.done $0x0  }
0x20: {  	s19 =	simm.s32 $0x500;
	[sflag:s16] =	ssyncadd.s32 $0xFFFF6000  }
0x21: {  	[tilespmem:s12], [sflag:$0x1] =	stream.indirect.gather [hbm4b:s3+s11], $0x40, s19, s11, $0xb8;
	[tilespmem:$0x1A400] =	vst v63  }
0x22: {  	_ =	swait.ge [sflag:s17], $0xA000  }
0x23: {  	[sflag:s17] =	ssyncset.done $0x0  }
0x24: {  	s30 =	simm.s32 $0x780;
	[sflag:s17] =	ssyncadd.s32 $0xFFFF6000  }
0x25: {  	[tilespmem:s13], [sflag:$0x2] =	stream.indirect.gather [hbm4b:s3+s11], $0x40, s30, s11, $0xb8;
	[tilespmem:$0x1A400] =	vst v63  }
0x26: {  	_ =	swait.ge [sflag:s14], $0xA000  }
0x27: {  	[sflag:s14] =	ssyncset.done $0x0  }
0x28: {  	s31 =	sadd.s32 $0x0, s8;
	[sflag:s14] =	ssyncadd.s32 $0xFFFF6000  }
0x29: {  	[hbm4b:s31+s2] =	stream.linear.scatter [tilespmem:s12], [sflag:$0x3], $0xA000, $0x38;
	[tilespmem:$0x1A400] =	vst v63  }
0x2a: {  	_ =	swait.ge [sflag:s15], $0xA000  }
0x2b: {  	s21 =	sadd.s32 $0x0, s9;
	[sflag:s15] =	ssyncset.done $0x0  }
0x2c: {  	s20 =	simm.s32 $0xC80;
	s19 =	simm.s32 $0x2800;
	[sflag:s15] =	ssyncadd.s32 $0xFFFF6000  }
.LBB2_2:
0x2d: {  	[hbm4b:s21+s2] =	stream.linear.scatter [tilespmem:s13], [sflag:$0x4], $0xA000, $0x38;
	[tilespmem:$0x1A400] =	vst v63  }
0x2e: {  	s21 =	smov.u32 s19  }
0x2f: {  	p0 =	sne.s32 s19, $0x2D000;
	s19 =	sadd.s32 $0x2800, s19;
	_ =	swait.ge [sflag:s16], $0xA000  }
0x30: {  	[sflag:s16] =	ssyncset.done $0x0  }
0x31: {  	s22 =	sadd.s32 $0xFFFFFD80, s20;
	[sflag:s16] =	ssyncadd.s32 $0xFFFF6000  }
0x32: {  	[tilespmem:s12], [sflag:$0x1] =	stream.indirect.gather [hbm4b:s3+s11], $0x40, s22, s11, $0xb8;
	[tilespmem:$0x1A400] =	vst v63  }
0x33: {  	_ =	swait.ge [sflag:s17], $0xA000  }
0x34: {  	[sflag:s17] =	ssyncset.done $0x0  }
0x35: {  	[sflag:s17] =	ssyncadd.s32 $0xFFFF6000  }
0x36: {  	[tilespmem:s13], [sflag:$0x2] =	stream.indirect.gather [hbm4b:s3+s11], $0x40, s20, s11, $0xb8;
	[tilespmem:$0x1A400] =	vst v63  }
0x37: {  	_ =	swait.ge [sflag:s14], $0xA000  }
0x38: {  	[sflag:s14] =	ssyncset.done $0x0  }
.Ltmp0:
0x39: {  	s22 =	sadd.s32 s21, s8;
	[sflag:s14] =	ssyncadd.s32 $0xFFFF6000;
	(pc) =	sbr.rel @p0 .LBB2_2-.Ltmp0, $4  }
0x3a: {  	[hbm4b:s22+s2] =	stream.linear.scatter [tilespmem:s12], [sflag:$0x3], $0xA000, $0x38;
	[tilespmem:$0x1A400] =	vst v63  }
0x3b: {  	_ =	swait.ge [sflag:s15], $0xA000  }
0x3c: {  	[sflag:s15] =	ssyncset.done $0x0  }
0x3d: {  	s21 =	sadd.s32 s21, s9;
	s20 =	sadd.s32 $0x500, s20;
	[sflag:s15] =	ssyncadd.s32 $0xFFFF6000  }
0x3e: {  	[hbm4b:s21+s2] =	stream.linear.scatter [tilespmem:s13], [sflag:$0x4], $0xA000, $0x38;
	[tilespmem:$0x1A400] =	vst v63  }
0x3f: {  	s18 =	sadd.s32 $0x1, s18  }
0x40: {  	_ =	swait.ge [sflag:s16], $0xA000;
	p0 =	sne.s32 s18, s5  }
.Ltmp1:
0x41: {  	[sflag:s16] =	ssyncset.done $0x0;
	(pc) =	sbr.rel @p0 .LBB2_1-.Ltmp1, $4  }
0x42: {  	[sflag:s16] =	ssyncadd.s32 $0xFFFF6000  }
0x43: {  	_ =	swait.ge [sflag:s17], $0xA000  }
0x44: {  	[sflag:s17] =	ssyncset.done $0x0  }
0x45: {  	[sflag:s17] =	ssyncadd.s32 $0xFFFF6000  }
0x46: {  	_ =	sfence.sel $0x180000  }
0x47: {  	[bflag:$0x0] =	sbarrier.arrive $0xFFFF  }
0x48: {  	p0 =	sne.s32 s0, $0x0;
	_ =	strace $0x90000047  }
0x49: {  	s0 =	sadd.s32 @!p0 $0x100000, s1;
	[bflag:$0x2] =	sbarrier.arrive $0xFFFF  }
0x4a: {  	[sflag:s0] =	ssyncadd.tile.s32 @!p0 $0x1;
	_ =	shalt  }
.Lfunc_end2:
_tile_overlayer_lowered:
.L_overlay_start_2:
0x4b: {  	(tag) =	ssettag $0x2  }
0x4c: {  	s0 =	rddreg [dreg:$0x0];
	s2 =	stileid.u32  }
0x4d: {  	s1 =	rddreg [dreg:$0x1];
	p0 =	sne.s32 s2, $0x0  }
0x4e: {  	s3 =	rddreg [dreg:$0x2];
	[bflag:$0x3] =	sbarrier.arrive $0xFFFF;
	s2 =	simm.s32 @!p0 $0x1C05  }
0x4f: {  	[timem:s3], [sflag:s2] =	dma.local @!p0 [hbm:s0], s1  }
0x50: {  	s0 =	simm.s32 @!p0 $0x5  }
0x51: {  	_ =	swait.ge @!p0 [sflag:s0], s1  }
0x52: {  	s1 =	ssub.s32 @!p0 $0x0, s1;
	[sflag:s0] =	ssyncset.done @!p0 $0x0  }
0x53: {  	[sflag:s0] =	ssyncadd.s32 @!p0 s1  }
0x54: {  	[bflag:$0x3] =	sbarrier.arrive $0xFFFF  }
0x55: {  	_ =	shalt  }

</sc_bundles>
